<compile_context>
chip_gen: v7x
topology: tpu7x:2x2x1
jax: 0.10.2.dev20260603
libtpu: 0.0.44.dev20260713+nightly
codegen_flags: <defaults>
</compile_context>

<pallas_src>
import functools

import jax
import jax.numpy as jnp
from jax import lax
from jax.experimental import pallas as pl
from jax.experimental.pallas import tpu as pltpu
from jax.experimental.pallas import tpu_sc as plsc

_N = 4096
_ROWS = 256
_GRID = _N // _ROWS
_NC, _NS, _L = 2, 16, 16
_NW = _NC * _NS
_RPW = _N // _NW


def _mine_body(x_ref, x1_ref, a_p_ref, a_n_ref, g_p_ref, g_n_ref):
    i = pl.program_id(0)
    x = x_ref[...]
    cols = lax.broadcasted_iota(jnp.int32, x.shape, 1)
    rows = lax.broadcasted_iota(jnp.int32, x.shape, 0) + i * _ROWS
    diag = cols == rows
    colsf = cols.astype(jnp.float32)
    mod_p = x + jnp.where(diag, 0.0, 9999999.0)
    mod_n = x + jnp.where(diag, -9999999.0, 0.0)
    hard_p = jnp.min(mod_p, axis=1)
    hard_n = jnp.max(mod_n, axis=1)
    bigf = jnp.float32(3e38)
    apf = jnp.min(jnp.where(mod_p == hard_p[:, None], colsf, bigf), axis=1)
    anf = jnp.min(jnp.where(mod_n == hard_n[:, None], colsf, bigf), axis=1)
    x1 = x1_ref[...]
    zero = jnp.float32(0.0)
    onep = jnp.where(colsf == apf[:, None], x1, zero)
    onen = jnp.where(colsf == anf[:, None], x1, zero)
    ones = jnp.ones((_N,), jnp.float32)
    dn = (((1,), (0,)), ((), ()))
    g_p_ref[...] = lax.dot_general(onep, ones, dn, preferred_element_type=jnp.float32)
    g_n_ref[...] = lax.dot_general(onen, ones, dn, preferred_element_type=jnp.float32)
    m = jnp.maximum(hard_p, hard_n)
    lse = m + jnp.log(jnp.exp(hard_p - m) + jnp.exp(hard_n - m))
    scale = jnp.float32(-1.0 / _N)
    a_p_ref[...] = (hard_p - lse) * scale
    a_n_ref[...] = (hard_n - lse) * scale


def _sc_body(a_p, a_n, g_p, g_n, out, ap_v, an_v, gp_v, gn_v, acc_v):
    wid = lax.axis_index("s") * _NC + lax.axis_index("c")
    base = wid * _RPW
    pltpu.sync_copy(a_p.at[pl.ds(base, _RPW)], ap_v)
    pltpu.sync_copy(a_n.at[pl.ds(base, _RPW)], an_v)
    pltpu.sync_copy(g_p.at[pl.ds(base, _RPW)], gp_v)
    pltpu.sync_copy(g_n.at[pl.ds(base, _RPW)], gn_v)
    acc = jnp.zeros((_L,), jnp.float32)
    for k in range(_RPW // _L):
        s = pl.ds(k * _L, _L)
        smp = 1.0 / (1.0 + jnp.exp(gn_v[s] - gp_v[s]))
        smn = 1.0 - smp
        acc = acc + smp * ap_v[s] + smn * an_v[s]
    acc_v[...] = acc
    pltpu.sync_copy(acc_v, out.at[wid])


@functools.cache
def _get_sc_gather():
    return functools.partial(
        pl.kernel,
        out_type=jax.ShapeDtypeStruct((_NW, _L), jnp.float32),
        mesh=plsc.VectorSubcoreMesh(
            core_axis_name="c", subcore_axis_name="s",
            num_cores=_NC, num_subcores=_NS),
        scratch_types=[
            pltpu.VMEM((_RPW,), jnp.float32),
            pltpu.VMEM((_RPW,), jnp.float32),
            pltpu.VMEM((_RPW,), jnp.float32),
            pltpu.VMEM((_RPW,), jnp.float32),
            pltpu.VMEM((_L,), jnp.float32),
        ],
    )(_sc_body)


def _sum_body(p_ref, o_ref):
    o_ref[0, 0] = jnp.sum(p_ref[...])


def kernel(sim_matrix0, sim_matrix1):
    a_p, a_n, g_p, g_n = pl.pallas_call(
        _mine_body,
        grid=(_GRID,),
        in_specs=[pl.BlockSpec((_ROWS, _N), lambda i: (i, 0))] * 2,
        out_specs=[pl.BlockSpec((_ROWS,), lambda i: (i,))] * 4,
        out_shape=[
            jax.ShapeDtypeStruct((_N,), jnp.float32),
            jax.ShapeDtypeStruct((_N,), jnp.float32),
            jax.ShapeDtypeStruct((_N,), jnp.float32),
            jax.ShapeDtypeStruct((_N,), jnp.float32),
        ],
    )(sim_matrix0, sim_matrix1)
    partials = _get_sc_gather()(a_p, a_n, g_p, g_n)
    loss = pl.pallas_call(
        _sum_body,
        out_specs=pl.BlockSpec(memory_space=pltpu.SMEM),
        out_shape=jax.ShapeDtypeStruct((1, 1), jnp.float32),
    )(partials)
    return loss.reshape(())

# --- scband reference (transcript-rebuilt; emitter-appended) ---
"""Pipeline reference for scband-soft-triplet-loss-63883343561062 (READ-ONLY COPY).

The authoritative reference and input builder live on the scoring server;
editing this copy changes nothing except your own understanding.
"""

import jax, jax.numpy as jnp
import numpy as np


def setup_inputs(seed: int = 0) -> dict:
    key = jax.random.key(seed)
    k0, k1 = jax.random.split(key)
    N = 4096
    sim_matrix0 = jax.random.normal(k0, (N, N), dtype=jnp.float32)
    sim_matrix1 = jax.random.normal(k1, (N, N), dtype=jnp.float32)
    return {"sim_matrix0": sim_matrix0, "sim_matrix1": sim_matrix1}


def reference(sim_matrix0, sim_matrix1):
    N = sim_matrix0.shape[0]
    mat_sim = jnp.eye(N, dtype=sim_matrix0.dtype)
    # batch-hard positive: sort ascending with large penalty on non-matches
    mod_p = sim_matrix0 + 9999999.0 * (1.0 - mat_sim)
    sorted_p = jnp.sort(mod_p, axis=1)
    pos_indices = jnp.argsort(mod_p, axis=1)
    hard_p = sorted_p[:, 0]
    ap_idx = pos_indices[:, 0]
    # batch-hard negative: sort descending with large negative penalty on matches
    mod_n = sim_matrix0 + (-9999999.0) * mat_sim
    sorted_n = -jnp.sort(-mod_n, axis=1)
    neg_indices = jnp.argsort(-mod_n, axis=1)
    hard_n = sorted_n[:, 0]
    an_idx = neg_indices[:, 0]
    triple_dist = jnp.stack((hard_p, hard_n), axis=1)
    triple_dist = jax.nn.log_softmax(triple_dist, axis=1)
    dist_ap_ref = jnp.take_along_axis(sim_matrix1, ap_idx[:, None], axis=1)[:, 0]
    dist_an_ref = jnp.take_along_axis(sim_matrix1, an_idx[:, None], axis=1)[:, 0]
    triple_dist_ref = jnp.stack((dist_ap_ref, dist_an_ref), axis=1)
    triple_dist_ref = jax.lax.stop_gradient(jax.nn.softmax(triple_dist_ref, axis=1))
    loss = jnp.sum(jnp.mean(-triple_dist_ref * triple_dist, axis=0))
    return loss

if __name__ == "__main__":
    import jax
    _d = setup_inputs()
    print(jax.jit(kernel)(*tuple(_d.values())))

</pallas_src>

<mosaic_0001>
#map = affine_map<(d0, d1) -> (0)>
#map1 = affine_map<(d0, d1) -> (0, 0)>
module attributes {stable_mosaic.version = 14 : i64} {
  func.func @_sc_body(%arg0: i32, %arg1: i32, %arg2: memref<4096xf32, #tpu.memory_space<hbm>>, %arg3: memref<4096xf32, #tpu.memory_space<hbm>>, %arg4: memref<4096xf32, #tpu.memory_space<hbm>>, %arg5: memref<4096xf32, #tpu.memory_space<hbm>>, %arg6: memref<32x16xf32, #tpu.memory_space<hbm>>, %arg7: memref<128xf32, #tpu.memory_space<vmem>>, %arg8: memref<128xf32, #tpu.memory_space<vmem>>, %arg9: memref<128xf32, #tpu.memory_space<vmem>>, %arg10: memref<128xf32, #tpu.memory_space<vmem>>, %arg11: memref<16xf32, #tpu.memory_space<vmem>>) attributes {dimension_semantics = [#tpu.dimension_semantics<core_parallel>, #tpu.dimension_semantics<subcore_parallel>], iteration_bounds = array<i64: 2, 16>, scalar_prefetch = 0 : i64, scratch_operands = 5 : i64, tpu.core_type = #tpu.core_type<sc_vector_subcore>, window_params = [{transform_indices = #map}, {transform_indices = #map}, {transform_indices = #map}, {transform_indices = #map}, {transform_indices = #map1}]} {
    %mul3A = arith.constant 2 : i32
    %mul3A_0 = arith.muli %arg1, %mul3A : i32
    %add3A = arith.addi %mul3A_0, %arg0 : i32
    %mul3A_1 = arith.constant 128 : i32
    %mul3A_2 = arith.muli %add3A, %mul3A_1 : i32
    "tpu.region"() ({
      %run_scoped3A = tpu.sem_alloc : memref<!tpu.dma_semaphore, #tpu.memory_space<semaphore_mem>>
      %dma_start3A = tpu.memref_slice %arg2[%mul3A_2] : memref<4096xf32, #tpu.memory_space<hbm>> -> memref<128xf32, #tpu.memory_space<hbm>>
      %dma_start3A_219 = tpu.memref_slice %arg2[%mul3A_2] : memref<4096xf32, #tpu.memory_space<hbm>> -> memref<128xf32, #tpu.memory_space<hbm>>
      tpu.enqueue_dma source(%dma_start3A_219 : memref<128xf32, #tpu.memory_space<hbm>>) target(%arg7 : memref<128xf32, #tpu.memory_space<vmem>>) target_semaphore(%run_scoped3A : memref<!tpu.dma_semaphore, #tpu.memory_space<semaphore_mem>>)
      %dma_wait3A = tpu.memref_slice %arg2[%mul3A_2] : memref<4096xf32, #tpu.memory_space<hbm>> -> memref<128xf32, #tpu.memory_space<hbm>>
      %dma_wait3A_220 = tpu.memref_slice %arg2[%mul3A_2] : memref<4096xf32, #tpu.memory_space<hbm>> -> memref<128xf32, #tpu.memory_space<hbm>>
      tpu.wait_dma2 semaphore(%run_scoped3A : memref<!tpu.dma_semaphore, #tpu.memory_space<semaphore_mem>>) src(%dma_wait3A_220 : memref<128xf32, #tpu.memory_space<hbm>>) dst(%arg7 : memref<128xf32, #tpu.memory_space<vmem>>)
      tpu.yield
    }) : () -> ()
    "tpu.region"() ({
      %run_scoped3A = tpu.sem_alloc : memref<!tpu.dma_semaphore, #tpu.memory_space<semaphore_mem>>
      %dma_start3A = tpu.memref_slice %arg3[%mul3A_2] : memref<4096xf32, #tpu.memory_space<hbm>> -> memref<128xf32, #tpu.memory_space<hbm>>
      %dma_start3A_219 = tpu.memref_slice %arg3[%mul3A_2] : memref<4096xf32, #tpu.memory_space<hbm>> -> memref<128xf32, #tpu.memory_space<hbm>>
      tpu.enqueue_dma source(%dma_start3A_219 : memref<128xf32, #tpu.memory_space<hbm>>) target(%arg8 : memref<128xf32, #tpu.memory_space<vmem>>) target_semaphore(%run_scoped3A : memref<!tpu.dma_semaphore, #tpu.memory_space<semaphore_mem>>)
      %dma_wait3A = tpu.memref_slice %arg3[%mul3A_2] : memref<4096xf32, #tpu.memory_space<hbm>> -> memref<128xf32, #tpu.memory_space<hbm>>
      %dma_wait3A_220 = tpu.memref_slice %arg3[%mul3A_2] : memref<4096xf32, #tpu.memory_space<hbm>> -> memref<128xf32, #tpu.memory_space<hbm>>
      tpu.wait_dma2 semaphore(%run_scoped3A : memref<!tpu.dma_semaphore, #tpu.memory_space<semaphore_mem>>) src(%dma_wait3A_220 : memref<128xf32, #tpu.memory_space<hbm>>) dst(%arg8 : memref<128xf32, #tpu.memory_space<vmem>>)
      tpu.yield
    }) : () -> ()
    "tpu.region"() ({
      %run_scoped3A = tpu.sem_alloc : memref<!tpu.dma_semaphore, #tpu.memory_space<semaphore_mem>>
      %dma_start3A = tpu.memref_slice %arg4[%mul3A_2] : memref<4096xf32, #tpu.memory_space<hbm>> -> memref<128xf32, #tpu.memory_space<hbm>>
      %dma_start3A_219 = tpu.memref_slice %arg4[%mul3A_2] : memref<4096xf32, #tpu.memory_space<hbm>> -> memref<128xf32, #tpu.memory_space<hbm>>
      tpu.enqueue_dma source(%dma_start3A_219 : memref<128xf32, #tpu.memory_space<hbm>>) target(%arg9 : memref<128xf32, #tpu.memory_space<vmem>>) target_semaphore(%run_scoped3A : memref<!tpu.dma_semaphore, #tpu.memory_space<semaphore_mem>>)
      %dma_wait3A = tpu.memref_slice %arg4[%mul3A_2] : memref<4096xf32, #tpu.memory_space<hbm>> -> memref<128xf32, #tpu.memory_space<hbm>>
      %dma_wait3A_220 = tpu.memref_slice %arg4[%mul3A_2] : memref<4096xf32, #tpu.memory_space<hbm>> -> memref<128xf32, #tpu.memory_space<hbm>>
      tpu.wait_dma2 semaphore(%run_scoped3A : memref<!tpu.dma_semaphore, #tpu.memory_space<semaphore_mem>>) src(%dma_wait3A_220 : memref<128xf32, #tpu.memory_space<hbm>>) dst(%arg9 : memref<128xf32, #tpu.memory_space<vmem>>)
      tpu.yield
    }) : () -> ()
    "tpu.region"() ({
      %run_scoped3A = tpu.sem_alloc : memref<!tpu.dma_semaphore, #tpu.memory_space<semaphore_mem>>
      %dma_start3A = tpu.memref_slice %arg5[%mul3A_2] : memref<4096xf32, #tpu.memory_space<hbm>> -> memref<128xf32, #tpu.memory_space<hbm>>
      %dma_start3A_219 = tpu.memref_slice %arg5[%mul3A_2] : memref<4096xf32, #tpu.memory_space<hbm>> -> memref<128xf32, #tpu.memory_space<hbm>>
      tpu.enqueue_dma source(%dma_start3A_219 : memref<128xf32, #tpu.memory_space<hbm>>) target(%arg10 : memref<128xf32, #tpu.memory_space<vmem>>) target_semaphore(%run_scoped3A : memref<!tpu.dma_semaphore, #tpu.memory_space<semaphore_mem>>)
      %dma_wait3A = tpu.memref_slice %arg5[%mul3A_2] : memref<4096xf32, #tpu.memory_space<hbm>> -> memref<128xf32, #tpu.memory_space<hbm>>
      %dma_wait3A_220 = tpu.memref_slice %arg5[%mul3A_2] : memref<4096xf32, #tpu.memory_space<hbm>> -> memref<128xf32, #tpu.memory_space<hbm>>
      tpu.wait_dma2 semaphore(%run_scoped3A : memref<!tpu.dma_semaphore, #tpu.memory_space<semaphore_mem>>) src(%dma_wait3A_220 : memref<128xf32, #tpu.memory_space<hbm>>) dst(%arg10 : memref<128xf32, #tpu.memory_space<vmem>>)
      tpu.yield
    }) : () -> ()
    %broadcast_in_dim3A = arith.constant 0.000000e+00 : f32
    %broadcast_in_dim3A_3 = vector.broadcast %broadcast_in_dim3A : f32 to vector<16xf32>
    %get3A = arith.constant 0 : index
    %get3A_4 = tpu.vector_load %arg10[%get3A] {strides = array<i32>} : memref<128xf32, #tpu.memory_space<vmem>>, vector<16xf32>,
    %get3A_5 = vector.shape_cast %get3A_4 : vector<16xf32> to vector<16xf32>
    %get3A_6 = arith.constant 0 : index
    %get3A_7 = tpu.vector_load %arg9[%get3A_6] {strides = array<i32>} : memref<128xf32, #tpu.memory_space<vmem>>, vector<16xf32>,
    %get3A_8 = vector.shape_cast %get3A_7 : vector<16xf32> to vector<16xf32>
    %sub3A = arith.subf %get3A_5, %get3A_8 : vector<16xf32>
    %exp3A = math.exp %sub3A : vector<16xf32>
    %add3A_9 = arith.constant 1.000000e+00 : f32
    %add3A_10 = vector.broadcast %add3A_9 : f32 to vector<16xf32>
    %add3A_11 = arith.addf %add3A_10, %exp3A : vector<16xf32>
    %div3A = arith.constant 1.000000e+00 : f32
    %div3A_12 = vector.broadcast %div3A : f32 to vector<16xf32>
    %div3A_13 = arith.divf %div3A_12, %add3A_11 : vector<16xf32>
    %sub3A_14 = arith.constant 1.000000e+00 : f32
    %sub3A_15 = vector.broadcast %sub3A_14 : f32 to vector<16xf32>
    %sub3A_16 = arith.subf %sub3A_15, %div3A_13 : vector<16xf32>
    %get3A_17 = arith.constant 0 : index
    %get3A_18 = tpu.vector_load %arg7[%get3A_17] {strides = array<i32>} : memref<128xf32, #tpu.memory_space<vmem>>, vector<16xf32>,
    %get3A_19 = vector.shape_cast %get3A_18 : vector<16xf32> to vector<16xf32>
    %mul3A_20 = arith.mulf %div3A_13, %get3A_19 : vector<16xf32>
    %add3A_21 = arith.addf %broadcast_in_dim3A_3, %mul3A_20 : vector<16xf32>
    %get3A_22 = arith.constant 0 : index
    %get3A_23 = tpu.vector_load %arg8[%get3A_22] {strides = array<i32>} : memref<128xf32, #tpu.memory_space<vmem>>, vector<16xf32>,
    %get3A_24 = vector.shape_cast %get3A_23 : vector<16xf32> to vector<16xf32>
    %mul3A_25 = arith.mulf %sub3A_16, %get3A_24 : vector<16xf32>
    %add3A_26 = arith.addf %add3A_21, %mul3A_25 : vector<16xf32>
    %get3A_27 = arith.constant 16 : index
    %get3A_28 = tpu.vector_load %arg10[%get3A_27] {strides = array<i32>} : memref<128xf32, #tpu.memory_space<vmem>>, vector<16xf32>,
    %get3A_29 = vector.shape_cast %get3A_28 : vector<16xf32> to vector<16xf32>
    %get3A_30 = arith.constant 16 : index
    %get3A_31 = tpu.vector_load %arg9[%get3A_30] {strides = array<i32>} : memref<128xf32, #tpu.memory_space<vmem>>, vector<16xf32>,
    %get3A_32 = vector.shape_cast %get3A_31 : vector<16xf32> to vector<16xf32>
    %sub3A_33 = arith.subf %get3A_29, %get3A_32 : vector<16xf32>
    %exp3A_34 = math.exp %sub3A_33 : vector<16xf32>
    %add3A_35 = arith.constant 1.000000e+00 : f32
    %add3A_36 = vector.broadcast %add3A_35 : f32 to vector<16xf32>
    %add3A_37 = arith.addf %add3A_36, %exp3A_34 : vector<16xf32>
    %div3A_38 = arith.constant 1.000000e+00 : f32
    %div3A_39 = vector.broadcast %div3A_38 : f32 to vector<16xf32>
    %div3A_40 = arith.divf %div3A_39, %add3A_37 : vector<16xf32>
    %sub3A_41 = arith.constant 1.000000e+00 : f32
    %sub3A_42 = vector.broadcast %sub3A_41 : f32 to vector<16xf32>
    %sub3A_43 = arith.subf %sub3A_42, %div3A_40 : vector<16xf32>
    %get3A_44 = arith.constant 16 : index
    %get3A_45 = tpu.vector_load %arg7[%get3A_44] {strides = array<i32>} : memref<128xf32, #tpu.memory_space<vmem>>, vector<16xf32>,
    %get3A_46 = vector.shape_cast %get3A_45 : vector<16xf32> to vector<16xf32>
    %mul3A_47 = arith.mulf %div3A_40, %get3A_46 : vector<16xf32>
    %add3A_48 = arith.addf %add3A_26, %mul3A_47 : vector<16xf32>
    %get3A_49 = arith.constant 16 : index
    %get3A_50 = tpu.vector_load %arg8[%get3A_49] {strides = array<i32>} : memref<128xf32, #tpu.memory_space<vmem>>, vector<16xf32>,
    %get3A_51 = vector.shape_cast %get3A_50 : vector<16xf32> to vector<16xf32>
    %mul3A_52 = arith.mulf %sub3A_43, %get3A_51 : vector<16xf32>
    %add3A_53 = arith.addf %add3A_48, %mul3A_52 : vector<16xf32>
    %get3A_54 = arith.constant 32 : index
    %get3A_55 = tpu.vector_load %arg10[%get3A_54] {strides = array<i32>} : memref<128xf32, #tpu.memory_space<vmem>>, vector<16xf32>,
    %get3A_56 = vector.shape_cast %get3A_55 : vector<16xf32> to vector<16xf32>
    %get3A_57 = arith.constant 32 : index
    %get3A_58 = tpu.vector_load %arg9[%get3A_57] {strides = array<i32>} : memref<128xf32, #tpu.memory_space<vmem>>, vector<16xf32>,
    %get3A_59 = vector.shape_cast %get3A_58 : vector<16xf32> to vector<16xf32>
    %sub3A_60 = arith.subf %get3A_56, %get3A_59 : vector<16xf32>
    %exp3A_61 = math.exp %sub3A_60 : vector<16xf32>
    %add3A_62 = arith.constant 1.000000e+00 : f32
    %add3A_63 = vector.broadcast %add3A_62 : f32 to vector<16xf32>
    %add3A_64 = arith.addf %add3A_63, %exp3A_61 : vector<16xf32>
    %div3A_65 = arith.constant 1.000000e+00 : f32
    %div3A_66 = vector.broadcast %div3A_65 : f32 to vector<16xf32>
    %div3A_67 = arith.divf %div3A_66, %add3A_64 : vector<16xf32>
    %sub3A_68 = arith.constant 1.000000e+00 : f32
    %sub3A_69 = vector.broadcast %sub3A_68 : f32 to vector<16xf32>
    %sub3A_70 = arith.subf %sub3A_69, %div3A_67 : vector<16xf32>
    %get3A_71 = arith.constant 32 : index
    %get3A_72 = tpu.vector_load %arg7[%get3A_71] {strides = array<i32>} : memref<128xf32, #tpu.memory_space<vmem>>, vector<16xf32>,
    %get3A_73 = vector.shape_cast %get3A_72 : vector<16xf32> to vector<16xf32>
    %mul3A_74 = arith.mulf %div3A_67, %get3A_73 : vector<16xf32>
    %add3A_75 = arith.addf %add3A_53, %mul3A_74 : vector<16xf32>
    %get3A_76 = arith.constant 32 : index
    %get3A_77 = tpu.vector_load %arg8[%get3A_76] {strides = array<i32>} : memref<128xf32, #tpu.memory_space<vmem>>, vector<16xf32>,
    %get3A_78 = vector.shape_cast %get3A_77 : vector<16xf32> to vector<16xf32>
    %mul3A_79 = arith.mulf %sub3A_70, %get3A_78 : vector<16xf32>
    %add3A_80 = arith.addf %add3A_75, %mul3A_79 : vector<16xf32>
    %get3A_81 = arith.constant 48 : index
    %get3A_82 = tpu.vector_load %arg10[%get3A_81] {strides = array<i32>} : memref<128xf32, #tpu.memory_space<vmem>>, vector<16xf32>,
    %get3A_83 = vector.shape_cast %get3A_82 : vector<16xf32> to vector<16xf32>
    %get3A_84 = arith.constant 48 : index
    %get3A_85 = tpu.vector_load %arg9[%get3A_84] {strides = array<i32>} : memref<128xf32, #tpu.memory_space<vmem>>, vector<16xf32>,
    %get3A_86 = vector.shape_cast %get3A_85 : vector<16xf32> to vector<16xf32>
    %sub3A_87 = arith.subf %get3A_83, %get3A_86 : vector<16xf32>
    %exp3A_88 = math.exp %sub3A_87 : vector<16xf32>
    %add3A_89 = arith.constant 1.000000e+00 : f32
    %add3A_90 = vector.broadcast %add3A_89 : f32 to vector<16xf32>
    %add3A_91 = arith.addf %add3A_90, %exp3A_88 : vector<16xf32>
    %div3A_92 = arith.constant 1.000000e+00 : f32
    %div3A_93 = vector.broadcast %div3A_92 : f32 to vector<16xf32>
    %div3A_94 = arith.divf %div3A_93, %add3A_91 : vector<16xf32>
    %sub3A_95 = arith.constant 1.000000e+00 : f32
    %sub3A_96 = vector.broadcast %sub3A_95 : f32 to vector<16xf32>
    %sub3A_97 = arith.subf %sub3A_96, %div3A_94 : vector<16xf32>
    %get3A_98 = arith.constant 48 : index
    %get3A_99 = tpu.vector_load %arg7[%get3A_98] {strides = array<i32>} : memref<128xf32, #tpu.memory_space<vmem>>, vector<16xf32>,
    %get3A_100 = vector.shape_cast %get3A_99 : vector<16xf32> to vector<16xf32>
    %mul3A_101 = arith.mulf %div3A_94, %get3A_100 : vector<16xf32>
    %add3A_102 = arith.addf %add3A_80, %mul3A_101 : vector<16xf32>
    %get3A_103 = arith.constant 48 : index
    %get3A_104 = tpu.vector_load %arg8[%get3A_103] {strides = array<i32>} : memref<128xf32, #tpu.memory_space<vmem>>, vector<16xf32>,
    %get3A_105 = vector.shape_cast %get3A_104 : vector<16xf32> to vector<16xf32>
    %mul3A_106 = arith.mulf %sub3A_97, %get3A_105 : vector<16xf32>
    %add3A_107 = arith.addf %add3A_102, %mul3A_106 : vector<16xf32>
    %get3A_108 = arith.constant 64 : index
    %get3A_109 = tpu.vector_load %arg10[%get3A_108] {strides = array<i32>} : memref<128xf32, #tpu.memory_space<vmem>>, vector<16xf32>,
    %get3A_110 = vector.shape_cast %get3A_109 : vector<16xf32> to vector<16xf32>
    %get3A_111 = arith.constant 64 : index
    %get3A_112 = tpu.vector_load %arg9[%get3A_111] {strides = array<i32>} : memref<128xf32, #tpu.memory_space<vmem>>, vector<16xf32>,
    %get3A_113 = vector.shape_cast %get3A_112 : vector<16xf32> to vector<16xf32>
    %sub3A_114 = arith.subf %get3A_110, %get3A_113 : vector<16xf32>
    %exp3A_115 = math.exp %sub3A_114 : vector<16xf32>
    %add3A_116 = arith.constant 1.000000e+00 : f32
    %add3A_117 = vector.broadcast %add3A_116 : f32 to vector<16xf32>
    %add3A_118 = arith.addf %add3A_117, %exp3A_115 : vector<16xf32>
    %div3A_119 = arith.constant 1.000000e+00 : f32
    %div3A_120 = vector.broadcast %div3A_119 : f32 to vector<16xf32>
    %div3A_121 = arith.divf %div3A_120, %add3A_118 : vector<16xf32>
    %sub3A_122 = arith.constant 1.000000e+00 : f32
    %sub3A_123 = vector.broadcast %sub3A_122 : f32 to vector<16xf32>
    %sub3A_124 = arith.subf %sub3A_123, %div3A_121 : vector<16xf32>
    %get3A_125 = arith.constant 64 : index
    %get3A_126 = tpu.vector_load %arg7[%get3A_125] {strides = array<i32>} : memref<128xf32, #tpu.memory_space<vmem>>, vector<16xf32>,
    %get3A_127 = vector.shape_cast %get3A_126 : vector<16xf32> to vector<16xf32>
    %mul3A_128 = arith.mulf %div3A_121, %get3A_127 : vector<16xf32>
    %add3A_129 = arith.addf %add3A_107, %mul3A_128 : vector<16xf32>
    %get3A_130 = arith.constant 64 : index
    %get3A_131 = tpu.vector_load %arg8[%get3A_130] {strides = array<i32>} : memref<128xf32, #tpu.memory_space<vmem>>, vector<16xf32>,
    %get3A_132 = vector.shape_cast %get3A_131 : vector<16xf32> to vector<16xf32>
    %mul3A_133 = arith.mulf %sub3A_124, %get3A_132 : vector<16xf32>
    %add3A_134 = arith.addf %add3A_129, %mul3A_133 : vector<16xf32>
    %get3A_135 = arith.constant 80 : index
    %get3A_136 = tpu.vector_load %arg10[%get3A_135] {strides = array<i32>} : memref<128xf32, #tpu.memory_space<vmem>>, vector<16xf32>,
    %get3A_137 = vector.shape_cast %get3A_136 : vector<16xf32> to vector<16xf32>
    %get3A_138 = arith.constant 80 : index
    %get3A_139 = tpu.vector_load %arg9[%get3A_138] {strides = array<i32>} : memref<128xf32, #tpu.memory_space<vmem>>, vector<16xf32>,
    %get3A_140 = vector.shape_cast %get3A_139 : vector<16xf32> to vector<16xf32>
    %sub3A_141 = arith.subf %get3A_137, %get3A_140 : vector<16xf32>
    %exp3A_142 = math.exp %sub3A_141 : vector<16xf32>
    %add3A_143 = arith.constant 1.000000e+00 : f32
    %add3A_144 = vector.broadcast %add3A_143 : f32 to vector<16xf32>
    %add3A_145 = arith.addf %add3A_144, %exp3A_142 : vector<16xf32>
    %div3A_146 = arith.constant 1.000000e+00 : f32
    %div3A_147 = vector.broadcast %div3A_146 : f32 to vector<16xf32>
    %div3A_148 = arith.divf %div3A_147, %add3A_145 : vector<16xf32>
    %sub3A_149 = arith.constant 1.000000e+00 : f32
    %sub3A_150 = vector.broadcast %sub3A_149 : f32 to vector<16xf32>
    %sub3A_151 = arith.subf %sub3A_150, %div3A_148 : vector<16xf32>
    %get3A_152 = arith.constant 80 : index
    %get3A_153 = tpu.vector_load %arg7[%get3A_152] {strides = array<i32>} : memref<128xf32, #tpu.memory_space<vmem>>, vector<16xf32>,
    %get3A_154 = vector.shape_cast %get3A_153 : vector<16xf32> to vector<16xf32>
    %mul3A_155 = arith.mulf %div3A_148, %get3A_154 : vector<16xf32>
    %add3A_156 = arith.addf %add3A_134, %mul3A_155 : vector<16xf32>
    %get3A_157 = arith.constant 80 : index
    %get3A_158 = tpu.vector_load %arg8[%get3A_157] {strides = array<i32>} : memref<128xf32, #tpu.memory_space<vmem>>, vector<16xf32>,
    %get3A_159 = vector.shape_cast %get3A_158 : vector<16xf32> to vector<16xf32>
    %mul3A_160 = arith.mulf %sub3A_151, %get3A_159 : vector<16xf32>
    %add3A_161 = arith.addf %add3A_156, %mul3A_160 : vector<16xf32>
    %get3A_162 = arith.constant 96 : index
    %get3A_163 = tpu.vector_load %arg10[%get3A_162] {strides = array<i32>} : memref<128xf32, #tpu.memory_space<vmem>>, vector<16xf32>,
    %get3A_164 = vector.shape_cast %get3A_163 : vector<16xf32> to vector<16xf32>
    %get3A_165 = arith.constant 96 : index
    %get3A_166 = tpu.vector_load %arg9[%get3A_165] {strides = array<i32>} : memref<128xf32, #tpu.memory_space<vmem>>, vector<16xf32>,
    %get3A_167 = vector.shape_cast %get3A_166 : vector<16xf32> to vector<16xf32>
    %sub3A_168 = arith.subf %get3A_164, %get3A_167 : vector<16xf32>
    %exp3A_169 = math.exp %sub3A_168 : vector<16xf32>
    %add3A_170 = arith.constant 1.000000e+00 : f32
    %add3A_171 = vector.broadcast %add3A_170 : f32 to vector<16xf32>
    %add3A_172 = arith.addf %add3A_171, %exp3A_169 : vector<16xf32>
    %div3A_173 = arith.constant 1.000000e+00 : f32
    %div3A_174 = vector.broadcast %div3A_173 : f32 to vector<16xf32>
    %div3A_175 = arith.divf %div3A_174, %add3A_172 : vector<16xf32>
    %sub3A_176 = arith.constant 1.000000e+00 : f32
    %sub3A_177 = vector.broadcast %sub3A_176 : f32 to vector<16xf32>
    %sub3A_178 = arith.subf %sub3A_177, %div3A_175 : vector<16xf32>
    %get3A_179 = arith.constant 96 : index
    %get3A_180 = tpu.vector_load %arg7[%get3A_179] {strides = array<i32>} : memref<128xf32, #tpu.memory_space<vmem>>, vector<16xf32>,
    %get3A_181 = vector.shape_cast %get3A_180 : vector<16xf32> to vector<16xf32>
    %mul3A_182 = arith.mulf %div3A_175, %get3A_181 : vector<16xf32>
    %add3A_183 = arith.addf %add3A_161, %mul3A_182 : vector<16xf32>
    %get3A_184 = arith.constant 96 : index
    %get3A_185 = tpu.vector_load %arg8[%get3A_184] {strides = array<i32>} : memref<128xf32, #tpu.memory_space<vmem>>, vector<16xf32>,
    %get3A_186 = vector.shape_cast %get3A_185 : vector<16xf32> to vector<16xf32>
    %mul3A_187 = arith.mulf %sub3A_178, %get3A_186 : vector<16xf32>
    %add3A_188 = arith.addf %add3A_183, %mul3A_187 : vector<16xf32>
    %get3A_189 = arith.constant 112 : index
    %get3A_190 = tpu.vector_load %arg10[%get3A_189] {strides = array<i32>} : memref<128xf32, #tpu.memory_space<vmem>>, vector<16xf32>,
    %get3A_191 = vector.shape_cast %get3A_190 : vector<16xf32> to vector<16xf32>
    %get3A_192 = arith.constant 112 : index
    %get3A_193 = tpu.vector_load %arg9[%get3A_192] {strides = array<i32>} : memref<128xf32, #tpu.memory_space<vmem>>, vector<16xf32>,
    %get3A_194 = vector.shape_cast %get3A_193 : vector<16xf32> to vector<16xf32>
    %sub3A_195 = arith.subf %get3A_191, %get3A_194 : vector<16xf32>
    %exp3A_196 = math.exp %sub3A_195 : vector<16xf32>
    %add3A_197 = arith.constant 1.000000e+00 : f32
    %add3A_198 = vector.broadcast %add3A_197 : f32 to vector<16xf32>
    %add3A_199 = arith.addf %add3A_198, %exp3A_196 : vector<16xf32>
    %div3A_200 = arith.constant 1.000000e+00 : f32
    %div3A_201 = vector.broadcast %div3A_200 : f32 to vector<16xf32>
    %div3A_202 = arith.divf %div3A_201, %add3A_199 : vector<16xf32>
    %sub3A_203 = arith.constant 1.000000e+00 : f32
    %sub3A_204 = vector.broadcast %sub3A_203 : f32 to vector<16xf32>
    %sub3A_205 = arith.subf %sub3A_204, %div3A_202 : vector<16xf32>
    %get3A_206 = arith.constant 112 : index
    %get3A_207 = tpu.vector_load %arg7[%get3A_206] {strides = array<i32>} : memref<128xf32, #tpu.memory_space<vmem>>, vector<16xf32>,
    %get3A_208 = vector.shape_cast %get3A_207 : vector<16xf32> to vector<16xf32>
    %mul3A_209 = arith.mulf %div3A_202, %get3A_208 : vector<16xf32>
    %add3A_210 = arith.addf %add3A_188, %mul3A_209 : vector<16xf32>
    %get3A_211 = arith.constant 112 : index
    %get3A_212 = tpu.vector_load %arg8[%get3A_211] {strides = array<i32>} : memref<128xf32, #tpu.memory_space<vmem>>, vector<16xf32>,
    %get3A_213 = vector.shape_cast %get3A_212 : vector<16xf32> to vector<16xf32>
    %mul3A_214 = arith.mulf %sub3A_205, %get3A_213 : vector<16xf32>
    %add3A_215 = arith.addf %add3A_210, %mul3A_214 : vector<16xf32>
    %swap3A = arith.constant 0 : index
    %swap3A_216 = tpu.vector_load %arg11[%swap3A] {strides = array<i32>} : memref<16xf32, #tpu.memory_space<vmem>>, vector<16xf32>,
    %swap3A_217 = vector.shape_cast %swap3A_216 : vector<16xf32> to vector<16xf32>
    %swap3A_218 = vector.shape_cast %add3A_215 : vector<16xf32> to vector<16xf32>
    tpu.vector_store %arg11[%swap3A], %swap3A_218 {strides = array<i32>} : memref<16xf32, #tpu.memory_space<vmem>>, vector<16xf32>,
    "tpu.region"() ({
      %run_scoped3A = tpu.sem_alloc : memref<!tpu.dma_semaphore, #tpu.memory_space<semaphore_mem>>
      %dma_start3A = arith.constant 0 : i32
      %dma_start3A_219 = tpu.memref_slice %arg6[%add3A, %dma_start3A] : memref<32x16xf32, #tpu.memory_space<hbm>> -> memref<1x16xf32, #tpu.memory_space<hbm>>
      %dma_start3A_220 = tpu.memref_squeeze %dma_start3A_219 : memref<1x16xf32, #tpu.memory_space<hbm>> -> memref<16xf32, #tpu.memory_space<hbm>>
      %dma_start3A_221 = arith.constant 0 : i32
      %dma_start3A_222 = tpu.memref_slice %arg6[%add3A, %dma_start3A_221] : memref<32x16xf32, #tpu.memory_space<hbm>> -> memref<1x16xf32, #tpu.memory_space<hbm>>
      %dma_start3A_223 = tpu.memref_squeeze %dma_start3A_222 : memref<1x16xf32, #tpu.memory_space<hbm>> -> memref<16xf32, #tpu.memory_space<hbm>>
      tpu.enqueue_dma source(%arg11 : memref<16xf32, #tpu.memory_space<vmem>>) target(%dma_start3A_223 : memref<16xf32, #tpu.memory_space<hbm>>) target_semaphore(%run_scoped3A : memref<!tpu.dma_semaphore, #tpu.memory_space<semaphore_mem>>)
      %dma_wait3A = arith.constant 0 : i32
      %dma_wait3A_224 = tpu.memref_slice %arg6[%add3A, %dma_wait3A] : memref<32x16xf32, #tpu.memory_space<hbm>> -> memref<1x16xf32, #tpu.memory_space<hbm>>
      %dma_wait3A_225 = tpu.memref_squeeze %dma_wait3A_224 : memref<1x16xf32, #tpu.memory_space<hbm>> -> memref<16xf32, #tpu.memory_space<hbm>>
      %dma_wait3A_226 = arith.constant 0 : i32
      %dma_wait3A_227 = tpu.memref_slice %arg6[%add3A, %dma_wait3A_226] : memref<32x16xf32, #tpu.memory_space<hbm>> -> memref<1x16xf32, #tpu.memory_space<hbm>>
      %dma_wait3A_228 = tpu.memref_squeeze %dma_wait3A_227 : memref<1x16xf32, #tpu.memory_space<hbm>> -> memref<16xf32, #tpu.memory_space<hbm>>
      tpu.wait_dma2 semaphore(%run_scoped3A : memref<!tpu.dma_semaphore, #tpu.memory_space<semaphore_mem>>) src(%arg11 : memref<16xf32, #tpu.memory_space<vmem>>) dst(%dma_wait3A_228 : memref<16xf32, #tpu.memory_space<hbm>>)
      tpu.yield
    }) : () -> ()
    return
  }
}

module attributes {stable_mosaic.version = 14 : i64} {
  func.func @_sum_body(%arg0: memref<32x16xf32, #tpu.memory_space<vmem>>, %arg1: memref<1x1xf32, #tpu.memory_space<smem>>) attributes {dimension_semantics = [], scalar_prefetch = 0 : i64, scratch_operands = 0 : i64, tpu.core_type = #tpu.core_type<tc>} {
    %get3A = arith.constant 0 : index
    %get3A_0 = arith.constant 0 : index
    %get3A_1 = vector.load %arg0[%get3A, %get3A_0] : memref<32x16xf32, #tpu.memory_space<vmem>>, vector<32x16xf32>
    %reduce_sum3A = vector.shape_cast %get3A_1 : vector<32x16xf32> to vector<1x32x16xf32>
    %reduce_sum3A_2 = arith.constant dense<0.000000e+00> : vector<1xf32>
    %reduce_sum3A_3 = vector.multi_reduction <add>, %reduce_sum3A, %reduce_sum3A_2 [1, 2] : vector<1x32x16xf32> to vector<1xf32>
    %reduce_sum3A_4 = vector.shape_cast %reduce_sum3A_3 : vector<1xf32> to vector<1x1x1xf32>
    %reduce_sum3A_5 = vector.extract %reduce_sum3A_4[0, 0, 0] : f32 from vector<1x1x1xf32>
    %swap3A = arith.constant 0 : index
    %swap3A_6 = arith.constant 0 : index
    %swap3A_7 = memref.load %arg1[%swap3A, %swap3A_6] : memref<1x1xf32, #tpu.memory_space<smem>>
    memref.store %reduce_sum3A_5, %arg1[%swap3A, %swap3A_6] : memref<1x1xf32, #tpu.memory_space<smem>>
    return
  }
}

module attributes {stable_mosaic.version = 14 : i64} {
  func.func @_mine_body(%arg0: i32, %arg1: memref<256x4096xf32, #tpu.memory_space<vmem>>, %arg2: memref<256x4096xf32, #tpu.memory_space<vmem>>, %arg3: memref<256xf32, #tpu.memory_space<vmem>>, %arg4: memref<256xf32, #tpu.memory_space<vmem>>, %arg5: memref<256xf32, #tpu.memory_space<vmem>>, %arg6: memref<256xf32, #tpu.memory_space<vmem>>) attributes {dimension_semantics = [#tpu.dimension_semantics<arbitrary>], iteration_bounds = array<i64: 16>, scalar_prefetch = 0 : i64, scratch_operands = 0 : i64, tpu.core_type = #tpu.core_type<tc>, window_params = [{transform_indices = @transform_0, window_bounds = array<i64: 256, 4096>}, {transform_indices = @transform_1, window_bounds = array<i64: 256, 4096>}, {transform_indices = @transform_2, window_bounds = array<i64: 256>}, {transform_indices = @transform_3, window_bounds = array<i64: 256>}, {transform_indices = @transform_4, window_bounds = array<i64: 256>}, {transform_indices = @transform_5, window_bounds = array<i64: 256>}]} {
    %get3A = arith.constant 0 : index
    %get3A_0 = arith.constant 0 : index
    %get3A_1 = vector.load %arg1[%get3A, %get3A_0] : memref<256x4096xf32, #tpu.memory_space<vmem>>, vector<256x4096xf32>
    %iota3A = tpu.iota {dimensions = array<i32: 1>} : vector<256x4096xi32>
    %iota3A_2 = tpu.iota {dimensions = array<i32: 0>} : vector<256x4096xi32>
    %mul3A = arith.constant 256 : i32
    %mul3A_3 = arith.muli %arg0, %mul3A : i32
    %add3A = vector.broadcast %mul3A_3 : i32 to vector<256x4096xi32>
    %add3A_4 = arith.addi %iota3A_2, %add3A : vector<256x4096xi32>
    %eq3A = arith.cmpi eq, %iota3A, %add3A_4 : vector<256x4096xi32>
    %convert_element_type3A = arith.sitofp %iota3A : vector<256x4096xi32> to vector<256x4096xf32>
    %jit3A = arith.constant 0.000000e+00 : f32
    %jit3A_5 = arith.constant 0x4B18967F : f32
    %broadcast_in_dim3A = vector.broadcast %jit3A : f32 to vector<256x4096xf32>
    %broadcast_in_dim3A_6 = vector.broadcast %jit3A_5 : f32 to vector<256x4096xf32>
    %select_n3A = arith.select %eq3A, %broadcast_in_dim3A, %broadcast_in_dim3A_6 : vector<256x4096xi1>, vector<256x4096xf32>
    %add3A_7 = arith.addf %get3A_1, %select_n3A : vector<256x4096xf32>
    %jit3A_8 = arith.constant 0xCB18967F : f32
    %jit3A_9 = arith.constant 0.000000e+00 : f32
    %broadcast_in_dim3A_10 = vector.broadcast %jit3A_8 : f32 to vector<256x4096xf32>
    %broadcast_in_dim3A_11 = vector.broadcast %jit3A_9 : f32 to vector<256x4096xf32>
    %select_n3A_12 = arith.select %eq3A, %broadcast_in_dim3A_10, %broadcast_in_dim3A_11 : vector<256x4096xi1>, vector<256x4096xf32>
    %add3A_13 = arith.addf %get3A_1, %select_n3A_12 : vector<256x4096xf32>
    %reduce_min3A = arith.constant dense<0x7F800000> : vector<256xf32>
    %reduce_min3A_14 = vector.multi_reduction <minimumf>, %add3A_7, %reduce_min3A [1] : vector<256x4096xf32> to vector<256xf32>
    %reduce_max3A = arith.constant dense<0xFF800000> : vector<256xf32>
    %reduce_max3A_15 = vector.multi_reduction <maximumf>, %add3A_13, %reduce_max3A [1] : vector<256x4096xf32> to vector<256xf32>
    %broadcast_in_dim3A_16 = vector.shape_cast %reduce_min3A_14 : vector<256xf32> to vector<256x1xf32>
    %eq3A_17 = vector.broadcast %broadcast_in_dim3A_16 : vector<256x1xf32> to vector<256x4096xf32>
    %eq3A_18 = arith.cmpf oeq, %add3A_7, %eq3A_17 : vector<256x4096xf32>
    %jit3A_19 = arith.constant 3.000000e+38 : f32
    %broadcast_in_dim3A_20 = vector.broadcast %jit3A_19 : f32 to vector<256x4096xf32>
    %select_n3A_21 = arith.select %eq3A_18, %convert_element_type3A, %broadcast_in_dim3A_20 : vector<256x4096xi1>, vector<256x4096xf32>
    %reduce_min3A_22 = arith.constant dense<0x7F800000> : vector<256xf32>
    %reduce_min3A_23 = vector.multi_reduction <minimumf>, %select_n3A_21, %reduce_min3A_22 [1] : vector<256x4096xf32> to vector<256xf32>
    %broadcast_in_dim3A_24 = vector.shape_cast %reduce_max3A_15 : vector<256xf32> to vector<256x1xf32>
    %eq3A_25 = vector.broadcast %broadcast_in_dim3A_24 : vector<256x1xf32> to vector<256x4096xf32>
    %eq3A_26 = arith.cmpf oeq, %add3A_13, %eq3A_25 : vector<256x4096xf32>
    %jit3A_27 = arith.constant 3.000000e+38 : f32
    %broadcast_in_dim3A_28 = vector.broadcast %jit3A_27 : f32 to vector<256x4096xf32>
    %select_n3A_29 = arith.select %eq3A_26, %convert_element_type3A, %broadcast_in_dim3A_28 : vector<256x4096xi1>, vector<256x4096xf32>
    %reduce_min3A_30 = arith.constant dense<0x7F800000> : vector<256xf32>
    %reduce_min3A_31 = vector.multi_reduction <minimumf>, %select_n3A_29, %reduce_min3A_30 [1] : vector<256x4096xf32> to vector<256xf32>
    %get3A_32 = arith.constant 0 : index
    %get3A_33 = arith.constant 0 : index
    %get3A_34 = vector.load %arg2[%get3A_32, %get3A_33] : memref<256x4096xf32, #tpu.memory_space<vmem>>, vector<256x4096xf32>
    %broadcast_in_dim3A_35 = vector.shape_cast %reduce_min3A_23 : vector<256xf32> to vector<256x1xf32>
    %eq3A_36 = vector.broadcast %broadcast_in_dim3A_35 : vector<256x1xf32> to vector<256x4096xf32>
    %eq3A_37 = arith.cmpf oeq, %convert_element_type3A, %eq3A_36 : vector<256x4096xf32>
    %jit3A_38 = arith.constant 0.000000e+00 : f32
    %broadcast_in_dim3A_39 = vector.broadcast %jit3A_38 : f32 to vector<256x4096xf32>
    %select_n3A_40 = arith.select %eq3A_37, %get3A_34, %broadcast_in_dim3A_39 : vector<256x4096xi1>, vector<256x4096xf32>
    %broadcast_in_dim3A_41 = vector.shape_cast %reduce_min3A_31 : vector<256xf32> to vector<256x1xf32>
    %eq3A_42 = vector.broadcast %broadcast_in_dim3A_41 : vector<256x1xf32> to vector<256x4096xf32>
    %eq3A_43 = arith.cmpf oeq, %convert_element_type3A, %eq3A_42 : vector<256x4096xf32>
    %jit3A_44 = arith.constant 0.000000e+00 : f32
    %broadcast_in_dim3A_45 = vector.broadcast %jit3A_44 : f32 to vector<256x4096xf32>
    %select_n3A_46 = arith.select %eq3A_43, %get3A_34, %broadcast_in_dim3A_45 : vector<256x4096xi1>, vector<256x4096xf32>
    %broadcast_in_dim3A_47 = arith.constant 1.000000e+00 : f32
    %broadcast_in_dim3A_48 = vector.broadcast %broadcast_in_dim3A_47 : f32 to vector<4096xf32>
    %dot_general3A = arith.constant dense<0.000000e+00> : vector<256xf32>
    %dot_general3A_49 = tpu.matmul %select_n3A_40, %broadcast_in_dim3A_48, %dot_general3A {dimension_numbers = #tpu.dot_dimension_numbers<[1], [0], [0], [], [0, 0], [], []>, transpose_lhs_hint = false} : vector<256x4096xf32>, vector<4096xf32>, vector<256xf32> -> vector<256xf32>
    %swap3A = arith.constant 0 : index
    %swap3A_50 = vector.load %arg5[%swap3A] : memref<256xf32, #tpu.memory_space<vmem>>, vector<256xf32>
    tpu.vector_store %arg5[%swap3A], %dot_general3A_49 {strides = array<i32>} : memref<256xf32, #tpu.memory_space<vmem>>, vector<256xf32>,
    %dot_general3A_51 = arith.constant dense<0.000000e+00> : vector<256xf32>
    %dot_general3A_52 = tpu.matmul %select_n3A_46, %broadcast_in_dim3A_48, %dot_general3A_51 {dimension_numbers = #tpu.dot_dimension_numbers<[1], [0], [0], [], [0, 0], [], []>, transpose_lhs_hint = false} : vector<256x4096xf32>, vector<4096xf32>, vector<256xf32> -> vector<256xf32>
    %swap3A_53 = arith.constant 0 : index
    %swap3A_54 = vector.load %arg6[%swap3A_53] : memref<256xf32, #tpu.memory_space<vmem>>, vector<256xf32>
    tpu.vector_store %arg6[%swap3A_53], %dot_general3A_52 {strides = array<i32>} : memref<256xf32, #tpu.memory_space<vmem>>, vector<256xf32>,
    %max3A = arith.maximumf %reduce_min3A_14, %reduce_max3A_15 : vector<256xf32>
    %sub3A = arith.subf %reduce_min3A_14, %max3A : vector<256xf32>
    %exp3A = math.exp %sub3A : vector<256xf32>
    %sub3A_55 = arith.subf %reduce_max3A_15, %max3A : vector<256xf32>
    %exp3A_56 = math.exp %sub3A_55 : vector<256xf32>
    %add3A_57 = arith.addf %exp3A, %exp3A_56 : vector<256xf32>
    %log3A = math.log %add3A_57 : vector<256xf32>
    %add3A_58 = arith.addf %max3A, %log3A : vector<256xf32>
    %sub3A_59 = arith.subf %reduce_min3A_14, %add3A_58 : vector<256xf32>
    %mul3A_60 = arith.constant -2.44140625E-4 : f32
    %mul3A_61 = vector.broadcast %mul3A_60 : f32 to vector<256xf32>
    %mul3A_62 = arith.mulf %sub3A_59, %mul3A_61 : vector<256xf32>
    %swap3A_63 = arith.constant 0 : index
    %swap3A_64 = vector.load %arg3[%swap3A_63] : memref<256xf32, #tpu.memory_space<vmem>>, vector<256xf32>
    tpu.vector_store %arg3[%swap3A_63], %mul3A_62 {strides = array<i32>} : memref<256xf32, #tpu.memory_space<vmem>>, vector<256xf32>,
    %sub3A_65 = arith.subf %reduce_max3A_15, %add3A_58 : vector<256xf32>
    %mul3A_66 = arith.constant -2.44140625E-4 : f32
    %mul3A_67 = vector.broadcast %mul3A_66 : f32 to vector<256xf32>
    %mul3A_68 = arith.mulf %sub3A_65, %mul3A_67 : vector<256xf32>
    %swap3A_69 = arith.constant 0 : index
    %swap3A_70 = vector.load %arg4[%swap3A_69] : memref<256xf32, #tpu.memory_space<vmem>>, vector<256xf32>
    tpu.vector_store %arg4[%swap3A_69], %mul3A_68 {strides = array<i32>} : memref<256xf32, #tpu.memory_space<vmem>>, vector<256xf32>,
    return
  }
  func.func @transform_0(%arg0: i32) -> (i32, i32) {
    %c0_i32 = arith.constant 0 : i32
    %c0_i32_0 = arith.constant 0 : i32
    return %arg0, %c0_i32 : i32, i32
  }
  func.func @transform_1(%arg0: i32) -> (i32, i32) {
    %c0_i32 = arith.constant 0 : i32
    %c0_i32_0 = arith.constant 0 : i32
    return %arg0, %c0_i32 : i32, i32
  }
  func.func @transform_2(%arg0: i32) -> i32 {
    %c0_i32 = arith.constant 0 : i32
    return %arg0 : i32
  }
  func.func @transform_3(%arg0: i32) -> i32 {
    %c0_i32 = arith.constant 0 : i32
    return %arg0 : i32
  }
  func.func @transform_4(%arg0: i32) -> i32 {
    %c0_i32 = arith.constant 0 : i32
    return %arg0 : i32
  }
  func.func @transform_5(%arg0: i32) -> i32 {
    %c0_i32 = arith.constant 0 : i32
    return %arg0 : i32
  }
}

</mosaic_0001>

<sc_bundles>
// kernel: kernel.5.cloned.1.call-start
scs
__scs_entry_jumppad:
0x0: {  	(pc) =	sbr.rel $0x88, $3  }
0x1: {  	(tag) =	ssettag $0x0;
	lr =	simm.s32 $0x1  }
0x2: {  	[smem:$0x3F9F] =	sst lr;
	_ =	strace $0xD0000000  }
0x3: {  	_ = 	snop  }
0x4: {  	_ = 	snop  }
0x5: {  	_ = 	snop  }
0x6: {  	_ = 	snop  }
0x7: {  	_ = 	snop  }
__scs_overlays_trampoline_lowered:
0x8: {  	[smem:$0x3FAE] =	sst s0  }
0x9: {  	[smem:$0x3FAF] =	sst s1  }
0xa: {  	[smem:$0x3FB0] =	sst s2  }
0xb: {  	[smem:$0x3FB1] =	sst s3  }
0xc: {  	[smem:$0x3FB2] =	sst s4  }
0xd: {  	[smem:$0x3FB3] =	sst s5  }
0xe: {  	[smem:$0x3FB4] =	sst s6  }
0xf: {  	[smem:$0x3FB5] =	sst s7  }
0x10: {  	[smem:$0x3FB6] =	sst s8  }
0x11: {  	[smem:$0x3FB7] =	sst s9;
	s0 =	simm.s32 @!p0 $0x0  }
0x12: {  	s1 =	sld [smem:$0x3F9D];
	s0 =	simm.s32 @p0 $0x1  }
0x13: {  	[smem:$0x3FB8] =	sst s0;
	s0 =	simm.s32 @!p1 $0x0  }
0x14: {  	s2 =	sld [smem:$0x3F9C];
	s0 =	simm.s32 @p1 $0x1  }
0x15: {  	[smem:$0x3FB9] =	sst s0;
	s0 =	simm.s32 @!p2 $0x0  }
0x16: {  	s3 =	sld [smem:$0x3FDB];
	s0 =	simm.s32 @p2 $0x1  }
0x17: {  	s4 =	simm.s32 $0x1BF5;
	[smem:$0x3FBB] =	sst s0  }
0x18: {  	s0 =	sld [smem:$0x3F9E];
	_ =	swait.ge [sflag:s4], $0x0  }
0x19: {  	s7 =	sld [smem:$0x3F9F]  }
0x1a: {  	s8 =	sadd.s32 $0xFFFFE003, lr  }
0x1b: {  	s9 =	sadd.s32 $0xFFFFFEF7, lr;
	s5 =	simm.s32 $0xFFFFFFFF;
	p2 =	slt.u32 s8, $0xFFFFF086  }
0x1c: {  	p1 =	slt.u32 s9, $0xF7A;
	s5 =	simm.s32 @!p2 $0x0  }
0x1d: {  	s5 =	simm.s32 @p1 $0x1;
	p0 =	seq.s32 s7, s2  }
0x1e: {  	s7 =	smul.u32 @!p0 $0xF7A, s2;
	p2 =	seq.s32 @!p0 s5, $0x0  }
0x1f: {  	s9 =	smul.u32 $0xF7A, s1;
	s8 =	simm.s32 @!p0 $0x1BF5;
	p2 =	por !p2, p0  }
0x20: {  	[sflag:s8] =	ssyncset.s32 @!p0 $0xFFFFF086;
	s6 =	sadd.s32 @!p0 s3, s7;
	s7 =	simm.s32 @!p0 $0x108  }
0x21: {  	s3 =	sadd.s32 s3, s9;
	s6 =	sadd.s32 @!p0 $0x88, s6;
	s7 =	simm.s32 @p2 $0x1082  }
0x22: {  	[simem:s7], [sflag:s8] =	dma.local @!p0 [hbm:s6], $0xF7A  }
0x23: {  	s9 =	sor.u32 $0xD0000000, s2;
	s6 =	simm.s32 $0x108;
	_ =	swait.ge @!p0 [sflag:s8], $0x0  }
0x24: {  	s3 =	sadd.s32 $0x88, s3;
	s6 =	simm.s32 @!p1 $0x1082;
	[sflag:s4] =	ssyncset.s32 $0xFFFFF086  }
0x25: {  	[simem:s6], [sflag:s4] =	dma.local [hbm:s3], $0xF7A  }
0x26: {  	[smem:$0x3F9F] =	sst s1;
	(tag) =	ssettag s2;
	_ =	strace s9  }
0x27: {  	s1 =	sld [smem:$0x3FAF]  }
0x28: {  	s2 =	sld [smem:$0x3FB0]  }
0x29: {  	s4 =	sld [smem:$0x3FB2]  }
0x2a: {  	p0 =	seq.s32 s5, $0x0;
	s5 =	sld [smem:$0x3FB3]  }
0x2b: {  	s6 =	sld [smem:$0x3FB4]  }
0x2c: {  	s7 =	sld [smem:$0x3FB5]  }
0x2d: {  	s3 =	simm.s32 $0x108;
	s8 =	sld [smem:$0x3FB6]  }
0x2e: {  	s3 =	simm.s32 @!p0 $0x1082;
	s9 =	sld [smem:$0x3FB7]  }
0x2f: {  	lr =	sadd.s32 s0, s3;
	s0 =	sld [smem:$0x3FAE]  }
0x30: {  	s3 =	sld [smem:$0x3FB1]  }
0x31: {  	[smem:$0x3FBA] =	sst s10  }
0x32: {  	s10 =	sld [smem:$0x3FB8];
	_ =	sdelay $0x3  }
0x33: {  	p0 =	seq.s32 s10, $0x1;
	s10 =	sld [smem:$0x3FBA];
	_ =	sdelay $0x3  }
0x34: {  	[smem:$0x3FBA] =	sst s10  }
0x35: {  	s10 =	sld [smem:$0x3FB9];
	_ =	sdelay $0x3  }
0x36: {  	p1 =	seq.s32 s10, $0x1;
	s10 =	sld [smem:$0x3FBA];
	_ =	sdelay $0x3  }
0x37: {  	[smem:$0x3FBA] =	sst s10  }
0x38: {  	s10 =	sld [smem:$0x3FBB]  }
0x39: {  	_ = 	snop;
	(pc) =	sbr.ind lr, $3  }
0x3a: {  	_ = 	snop  }
0x3b: {  	_ = 	snop  }
0x3c: {  	p2 =	seq.s32 s10, $0x1;
	s10 =	sld [smem:$0x3FBA]  }
0x3d: {  	_ =	shalt  }
0x3e: {  	_ =	shalt  }
0x3f: {  	_ =	shalt  }
0x40: {  	_ =	shalt  }
0x41: {  	_ =	shalt  }
0x42: {  	_ =	shalt  }
0x43: {  	_ =	shalt  }
0x44: {  	_ =	shalt  }
0x45: {  	_ =	shalt  }
0x46: {  	_ =	shalt  }
0x47: {  	_ =	shalt  }
0x48: {  	_ =	shalt  }
0x49: {  	_ =	shalt  }
0x4a: {  	_ =	shalt  }
0x4b: {  	_ =	shalt  }
0x4c: {  	_ =	shalt  }
0x4d: {  	_ =	shalt  }
0x4e: {  	_ =	shalt  }
0x4f: {  	_ =	shalt  }
0x50: {  	_ =	shalt  }
0x51: {  	_ =	shalt  }
0x52: {  	_ =	shalt  }
0x53: {  	_ =	shalt  }
0x54: {  	_ =	shalt  }
0x55: {  	_ =	shalt  }
0x56: {  	_ =	shalt  }
0x57: {  	_ =	shalt  }
0x58: {  	_ =	shalt  }
0x59: {  	_ =	shalt  }
0x5a: {  	_ =	shalt  }
0x5b: {  	_ =	shalt  }
0x5c: {  	_ =	shalt  }
0x5d: {  	_ =	shalt  }
0x5e: {  	_ =	shalt  }
0x5f: {  	_ =	shalt  }
0x60: {  	_ =	shalt  }
0x61: {  	_ =	shalt  }
0x62: {  	_ =	shalt  }
0x63: {  	_ =	shalt  }
0x64: {  	_ =	shalt  }
0x65: {  	_ =	shalt  }
0x66: {  	_ =	shalt  }
0x67: {  	_ =	shalt  }
0x68: {  	_ =	shalt  }
0x69: {  	_ =	shalt  }
0x6a: {  	_ =	shalt  }
0x6b: {  	_ =	shalt  }
0x6c: {  	_ =	shalt  }
0x6d: {  	_ =	shalt  }
0x6e: {  	_ =	shalt  }
0x6f: {  	_ =	shalt  }
0x70: {  	_ =	shalt  }
0x71: {  	_ =	shalt  }
0x72: {  	_ =	shalt  }
0x73: {  	_ =	shalt  }
0x74: {  	_ =	shalt  }
0x75: {  	_ =	shalt  }
0x76: {  	_ =	shalt  }
0x77: {  	_ =	shalt  }
0x78: {  	_ =	shalt  }
0x79: {  	_ =	shalt  }
0x7a: {  	_ =	shalt  }
0x7b: {  	_ =	shalt  }
0x7c: {  	_ =	shalt  }
0x7d: {  	_ =	shalt  }
0x7e: {  	_ =	shalt  }
0x7f: {  	_ =	shalt  }
0x80: {  	_ =	shalt  }
0x81: {  	_ =	shalt  }
0x82: {  	_ =	shalt  }
0x83: {  	_ =	shalt  }
0x84: {  	_ =	shalt  }
0x85: {  	_ =	shalt  }
0x86: {  	_ =	shalt  }
0x87: {  	_ =	shalt  }
.Lfunc_end0:
.L_simem_size_0:
called_computation_lowered:
.L_overlay_start_0:
0x88: {  	s2 =	sld [smem:$0x3FD9]  }
0x89: {  	s3 =	sld [smem:$0x3FFE];
	_ =	sdelay $0x1  }
0x8a: {  	s1 =	srdreg.scid  }
0x8b: {  	s0 =	sand.u32 $0x1, s1  }
0x8c: {  	s16 =	sshll.u32 s0, $0xA;
	s2 =	sadd.s32 s3, s2  }
0x8d: {  	s2 =	sadd.s32 s2, s16  }
0x8e: {  	[smem:$0x3FC6] =	sst s2  }
0x8f: {  	_ = 	snop  }
0x90: {  	(tm) =	ssettm $0x1  }
0x91: {  	s17 =	sld [smem:$0x3FFB];
	_ =	sdelay $0x3  }
0x92: {  	_ =	strace s17  }
0x93: {  	s2 =	sld [smem:$0x3FFC];
	_ =	sdelay $0x3  }
0x94: {  	_ =	strace s2  }
0x95: {  	s2 =	sld [smem:$0x3FFD];
	_ =	sdelay $0x3  }
0x96: {  	_ =	strace s2  }
0x97: {  	_ =	strace $0x8FFFFFFF  }
0x98: {  	s18 =	sld [smem:$0x3FDB];
	_ =	sdelay $0x1  }
0x99: {  	s19 =	simm.s32 $_scs_section_size  }
0x9a: {  	s4 =	simm.s32 $_size__tile_overlayer_lowered;
	s5 =	simm.s32 $_tile_overlayer_lowered  }
0x9b: {  	s22 =	simm.s32 $0x1BFF;
	s21 =	sshll.u32 s5, $0x1;
	s2 =	sadd.s32 s19, s18  }
0x9c: {  	s6 =	simm.s32 $0x0;
	s20 =	sshll.u32 s4, $0x1;
	s4 =	sadd.s32 s21, s2  }
0x9d: {  	[timem:s6], [sflag:s22] =	dma.local [hbm:s4], s20  }
0x9e: {  	_ =	swait.ge [sflag:s22], s20  }
0x9f: {  	s3 =	ssub.s32 $0x0, s20;
	[sflag:s22] =	ssyncset.done $0x0  }
0xa0: {  	[sflag:s22] =	ssyncadd.s32 s3;
	_ =	sdelay $0x1  }
0xa1: {  	s23 =	simm.s32 $0x1B8B  }
0xa2: {  	_ =	swait.ge [sflag:s23], $0x1  }
0xa3: {  	[sflag:s23] =	ssyncset.done $0x0  }
0xa4: {  	s25 =	simm.s32 $0x1B8E;
	s24 =	sld [smem:$0x3FFE];
	[sflag:s23] =	ssyncadd.s32 $0xFFFFFFFF  }
0xa5: {  	s26 =	simm.s32 $execute0_lowered;
	[smem:$0x3FD2] =	sst s25  }
0xa6: {  	s4 =	sshll.u32 s26, $0x1;
	_ =	strace $0x80000046;
	[dreg:$0x1] =	wrdreg $0xFFFFFFFF  }
0xa7: {  	s28 =	simm.s32 $_size_execute0_lowered;
	s2 =	sadd.s32 s2, s4;
	[dreg:$0x0] =	wrdreg $0x0  }
0xa8: {  	s4 =	sshll.u32 s28, $0x1;
	[dreg:$0x2] =	wrdreg s2  }
0xa9: {  	[dreg:$0x3] =	wrdreg s4  }
0xaa: {  	[dreg:$0x4] =	wrdreg $0xC0  }
0xab: {  	_ =	task [dreg:s6], $0x5FFFF  }
0xac: {  	[dreg:$0x1] =	wrdreg $0xFFFFFFFF  }
0xad: {  	[dreg:$0x0] =	wrdreg $0x60  }
0xae: {  	[dreg:$0x2] =	wrdreg s24  }
0xaf: {  	[dreg:$0x3] =	wrdreg $0x9  }
0xb0: {  	_ =	task.clear_ibuf [dreg:s6], $0x4FFFF;
	_ =	strace $0x90000046  }
0xb1: {  	s29 =	simm.s32 $0x9;
	_ =	strace $0x80000048  }
0xb2: {  	_ =	swait.ge [sflag:s29], $0x1  }
0xb3: {  	[sflag:s29] =	ssyncadd.s32 $0xFFFFFFFF  }
0xb4: {  	_ =	strace $0x90000048  }
0xb5: {  	_ =	sfence  }
0xb6: {  	s30 =	sld [smem:$0x0];
	_ =	sdelay $0x2  }
0xb7: {  	s31 =	sshll.u32 s1, $0xD;
	s1 =	sshrl.u32 s1, $0x2  }
0xb8: {  	s3 =	sand.u32 $0x4000, s31;
	s1 =	sadd.s32 s1, s30  }
0xb9: {  	s0 =	sor.u32 s3, s0;
	s1 =	sshll.u32 s1, $0x11  }
0xba: {  	s0 =	sor.u32 s1, s0  }
0xbb: {  	s0 =	sadd.s32 $0x8F2B, s0  }
0xbc: {  	[sflag:s0] =	ssyncadd.remote.s32 $0x1  }
0xbd: {  	_ =	sfence.sel $0xFFFF  }
0xbe: {  	[dreg:$0x0] =	wrdreg $0xFFFFFFFF;
	(pc) =	sbr.abs _section_cstart, $3  }
0xbf: {  	[dreg:$0x1] =	wrdreg $0xFFFFFFFF  }
0xc0: {  	_ =	task.clear_ibuf [dreg:s6], $0x2FFFF;
	_ =	strace $0x9FFFFFFF  }
0xc1: {  	(tm) =	ssettm $0x7FFFFFFF  }
tec
execute0_lowered:
.L_overlay_start_1:
0x0: {  	(tag) =	ssettag $0x1  }
0x1: {  	s1 =	srdreg.scid  }
0x2: {  	s0 =	stileid.u32;
	s4 =	sand.u32 $0x1, s1  }
0x3: {  	s3 =	rddreg [dreg:$0x0];
	s5 =	sshll.u32 s0, $0x5;
	s6 =	sshll.u32 s4, $0x4  }
0x4: {  	s2 =	simm.s32 $0x0;
	s1 =	rddreg [dreg:$0x1];
	s5 =	sor.u32 s6, s5  }
0x5: {  	[smem:$0x7FF] =	sst s2;
	s5 =	sadd.s32 s5, s3  }
0x6: {  	_ =	strace $0x80000047;
	s3 =	simm.s32 $0x1;
	s6 =	sadd.s32 $0x1000, s5  }
0x7: {  	[tilespmem:s2], [sflag:$0x1] =	stream.linear.gather [hbm4b:s6+s2], $0x80, $0x38;
	[tilespmem:$0x280] =	vst v63  }
0x8: {  	_ =	swait.ge [sflag:s3], $0x80  }
0x9: {  	[sflag:s3] =	ssyncset.done $0x0  }
0xa: {  	s8 =	simm.s32 $0x80;
	s7 =	sadd.s32 $0x1200, s5;
	[sflag:s3] =	ssyncadd.s32 $0xFFFFFF80  }
0xb: {  	[tilespmem:s8], [sflag:$0x1] =	stream.linear.gather [hbm4b:s7+s2], $0x80, $0x38;
	[tilespmem:$0x280] =	vst v63  }
0xc: {  	s4 =	ssub.s32 $0x2, s4;
	_ =	swait.ge [sflag:s3], $0x80  }
0xd: {  	s10 =	simm.s32 $0x100;
	s11 =	sshrl.u32 s4, $0x1;
	[sflag:s3] =	ssyncset.done $0x0  }
0xe: {  	s4 =	ssub.s32 s4, s11;
	s9 =	sadd.s32 $0x1400, s5;
	[sflag:s3] =	ssyncadd.s32 $0xFFFFFF80  }
0xf: {  	[tilespmem:s10], [sflag:$0x1] =	stream.linear.gather [hbm4b:s9+s2], $0x80, $0x38;
	[tilespmem:$0x280] =	vst v63  }
0x10: {  	s13 =	smax.u32 s4, $0x1;
	_ =	swait.ge [sflag:s3], $0x80  }
0x11: {  	s12 =	simm.s32 $0x180;
	p0 =	sne.s32 s13, $0x1;
	[sflag:s3] =	ssyncset.done $0x0  }
.Ltmp0:
0x12: {  	s11 =	sadd.s32 $0x1600, s5;
	[sflag:s3] =	ssyncadd.s32 $0xFFFFFF80;
	(pc) =	sbr.rel @!p0 .LBB2_2-.Ltmp0, $4  }
0x13: {  	[tilespmem:s12], [sflag:$0x1] =	stream.linear.gather [hbm4b:s11+s2], $0x80, $0x38;
	[tilespmem:$0x280] =	vst v63  }
0x14: {  	_ =	swait.ge [sflag:s3], $0x80  }
0x15: {  	s4 =	sadd.s32 $0x1800, s5;
	[sflag:s3] =	ssyncset.done $0x0  }
0x16: {  	s5 =	simm.s32 $0x200;
	s13 =	sadd.s32 $0xFFFFFFFF, s13;
	[sflag:s3] =	ssyncadd.s32 $0xFFFFFF80  }
.LBB2_1:
0x17: {  	p0 =	sne.s32 s13, $0x1;
	s13 =	sadd.s32 $0xFFFFFFFF, s13;
	v0 =	vld [tilespmem:$0x180]  }
0x18: {  	v1 =	vld [tilespmem:$0x100];
	_ =	sdelay $0x1  }
0x19: {  	v2 =	vld [tilespmem:$0x190]  }
0x1a: {  	v3 =	vld [tilespmem:$0x110];
	_ =	sdelay $0x1  }
0x1b: {  	v0 =	vsub.f32 v0, v1  }
0x1c: {  	v1 =	vld [tilespmem:$0x120]  }
0x1d: {  	v0 =	vmul.f32 $1.442695020e+00, v0;
	v4 =	vld [tilespmem:$0x1A0]  }
0x1e: {  	v2 =	vsub.f32 v2, v3  }
0x1f: {  	(erf) = vpow2.f32 v0  }
0x20: {  	v0 =	vmul.f32 $1.442695020e+00, v2;
	v2 =	vld [tilespmem:$0x130]  }
0x21: {  	v3 =	vld [tilespmem:$0x1B0]  }
0x22: {  	v1 =	vsub.f32 v4, v1;
	(erf) = vpow2.f32 v0;
	_ =	sdelay $0x1  }
0x23: {  	v0 =	vmul.f32 $1.442695020e+00, v1;
	v1 =	vld [tilespmem:$0x140]  }
0x24: {  	v4 =	vld [tilespmem:$0x1C0]  }
0x25: {  	v3 =	vsub.f32 v3, v2;
	(erf) = vpow2.f32 v0;
	_ =	sdelay $0x1  }
0x26: {  	v5 =	vmul.f32 $1.442695020e+00, v3;
	v2 =	vpop (erf)  }
0x27: {  	v2 =	vadd.f32 $1.000000000e+00, v2;
	v3 =	vld [tilespmem:$0x150]  }
0x28: {  	v1 =	vsub.f32 v4, v1;
	v4 =	vld [tilespmem:$0x1D0];
	(erf) = vpow2.f32 v5  }
0x29: {  	(erf) = vrcp.f32 v2;
	v0 =	vpop (erf)  }
0x2a: {  	v0 =	vadd.f32 $1.000000000e+00, v0;
	v1 =	vmul.f32 $1.442695020e+00, v1  }
0x2b: {  	v2 =	vld [tilespmem:$0x160]  }
0x2c: {  	v5 =	vld [tilespmem:$0x1E0];
	(erf) = vrcp.f32 v0  }
0x2d: {  	v0 =	vsub.f32 v4, v3;
	v3 =	vld [tilespmem:$0x170];
	v4 =	vpop (erf);
	(erf) = vpow2.f32 v1  }
0x2e: {  	v1 =	vld [tilespmem:$0x0];
	v8 =	vadd.f32 $1.000000000e+00, v4  }
0x2f: {  	v0 =	vmul.f32 $1.442695020e+00, v0;
	v6 =	vld [tilespmem:$0x1F0]  }
0x30: {  	v7 =	vld [tilespmem:$0x80];
	(erf) = vrcp.f32 v8  }
0x31: {  	v2 =	vsub.f32 v5, v2;
	v4 =	vpop (erf);
	(erf) = vpow2.f32 v0  }
0x32: {  	v0 =	vld [tilespmem:$0x10];
	v4 =	vadd.f32 $1.000000000e+00, v4;
	v5 =	vpop (erf)  }
0x33: {  	v9 =	vsub.f32 $1.000000000e+00, v5;
	v1 =	vmul.f32 v5, v1;
	v2 =	vmul.f32 $1.442695020e+00, v2  }
0x34: {  	v5 =	vld [tilespmem:$0x90];
	v3 =	vsub.f32 v6, v3;
	(erf) = vrcp.f32 v4  }
0x35: {  	v1 =	vadd.f32 $0.0e+00, v1;
	v4 =	vmul.f32 v9, v7;
	v6 =	vpop (erf);
	(erf) = vpow2.f32 v2  }
0x36: {  	v9 =	vsub.f32 $1.000000000e+00, v6;
	v7 =	vld [tilespmem:$0x20];
	v3 =	vmul.f32 $1.442695020e+00, v3;
	v8 =	vpop (erf)  }
0x37: {  	v1 =	vadd.f32 v4, v1;
	v0 =	vmul.f32 v6, v0;
	v4 =	vadd.f32 $1.000000000e+00, v8  }
0x38: {  	v6 =	vld [tilespmem:$0xA0];
	(erf) = vpow2.f32 v3  }
0x39: {  	v0 =	vadd.f32 v0, v1;
	v1 =	vmul.f32 v9, v5;
	v2 =	vpop (erf);
	(erf) = vrcp.f32 v4  }
0x3a: {  	v8 =	vsub.f32 $1.000000000e+00, v2;
	v4 =	vld [tilespmem:$0x30];
	v5 =	vpop (erf)  }
0x3b: {  	v0 =	vadd.f32 v1, v0;
	v1 =	vmul.f32 v2, v7;
	v2 =	vadd.f32 $1.000000000e+00, v5  }
0x3c: {  	v5 =	vld [tilespmem:$0xB0]  }
0x3d: {  	v0 =	vadd.f32 v1, v0;
	v1 =	vmul.f32 v8, v6;
	v3 =	vpop (erf);
	(erf) = vrcp.f32 v2  }
0x3e: {  	v8 =	vsub.f32 $1.000000000e+00, v3;
	v6 =	vld [tilespmem:$0x40];
	v7 =	vpop (erf)  }
0x3f: {  	v0 =	vadd.f32 v1, v0;
	v1 =	vmul.f32 v3, v4;
	v3 =	vadd.f32 $1.000000000e+00, v7  }
0x40: {  	v4 =	vld [tilespmem:$0xC0]  }
0x41: {  	v0 =	vadd.f32 v1, v0;
	v1 =	vmul.f32 v8, v5;
	(erf) = vrcp.f32 v3;
	v2 =	vpop (erf)  }
0x42: {  	v3 =	vld [tilespmem:$0x50];
	v2 =	vadd.f32 $1.000000000e+00, v2;
	v5 =	vpop (erf)  }
0x43: {  	v0 =	vadd.f32 v1, v0;
	v1 =	vsub.f32 $1.000000000e+00, v5;
	v5 =	vmul.f32 v5, v6  }
0x44: {  	v6 =	vld [tilespmem:$0xD0]  }
0x45: {  	v0 =	vadd.f32 v5, v0;
	v1 =	vmul.f32 v1, v4;
	(erf) = vrcp.f32 v2  }
0x46: {  	v2 =	vld [tilespmem:$0x60];
	v4 =	vpop (erf)  }
0x47: {  	v0 =	vadd.f32 v1, v0;
	v1 =	vsub.f32 $1.000000000e+00, v4;
	v3 =	vmul.f32 v4, v3  }
0x48: {  	v4 =	vld [tilespmem:$0xE0]  }
0x49: {  	v0 =	vadd.f32 v3, v0;
	v1 =	vmul.f32 v1, v6  }
0x4a: {  	v3 =	vld [tilespmem:$0x70];
	v5 =	vpop (erf)  }
0x4b: {  	v0 =	vadd.f32 v1, v0;
	v1 =	vsub.f32 $1.000000000e+00, v5;
	v6 =	vmul.f32 v5, v2  }
0x4c: {  	v5 =	vld [tilespmem:$0xF0]  }
0x4d: {  	v0 =	vadd.f32 v6, v0;
	v1 =	vmul.f32 v1, v4  }
0x4e: {  	v2 =	vpop (erf)  }
0x4f: {  	v0 =	vadd.f32 v1, v0;
	v1 =	vsub.f32 $1.000000000e+00, v2;
	v2 =	vmul.f32 v2, v3;
	_ =	sdelay $0x1  }
0x50: {  	v0 =	vadd.f32 v2, v0;
	v1 =	vmul.f32 v1, v5;
	_ =	sdelay $0x1  }
0x51: {  	v0 =	vadd.f32 v1, v0;
	_ =	sdelay $0x1  }
0x52: {  	[tilespmem:$0x200] =	vst v0  }
0x53: {  	[hbm4b:s4+s2] =	stream.linear.scatter [tilespmem:s5], [sflag:$0x1], $0x80, $0x38;
	[tilespmem:$0x280] =	vst v63  }
0x54: {  	_ =	swait.ge [sflag:s3], $0x80  }
0x55: {  	[sflag:s3] =	ssyncset.done $0x0  }
0x56: {  	[sflag:s3] =	ssyncadd.s32 $0xFFFFFF80  }
0x57: {  	[tilespmem:s2], [sflag:$0x1] =	stream.linear.gather [hbm4b:s6+s2], $0x80, $0x38;
	[tilespmem:$0x280] =	vst v63  }
0x58: {  	_ =	swait.ge [sflag:s3], $0x80  }
0x59: {  	[sflag:s3] =	ssyncset.done $0x0  }
0x5a: {  	[sflag:s3] =	ssyncadd.s32 $0xFFFFFF80  }
0x5b: {  	[tilespmem:s8], [sflag:$0x1] =	stream.linear.gather [hbm4b:s7+s2], $0x80, $0x38;
	[tilespmem:$0x280] =	vst v63  }
0x5c: {  	_ =	swait.ge [sflag:s3], $0x80  }
0x5d: {  	[sflag:s3] =	ssyncset.done $0x0  }
0x5e: {  	[sflag:s3] =	ssyncadd.s32 $0xFFFFFF80  }
0x5f: {  	[tilespmem:s10], [sflag:$0x1] =	stream.linear.gather [hbm4b:s9+s2], $0x80, $0x38;
	[tilespmem:$0x280] =	vst v63  }
0x60: {  	_ =	swait.ge [sflag:s3], $0x80  }
0x61: {  	[sflag:s3] =	ssyncset.done $0x0  }
.Ltmp1:
0x62: {  	[sflag:s3] =	ssyncadd.s32 $0xFFFFFF80;
	(pc) =	sbr.rel @p0 .LBB2_1-.Ltmp1, $4  }
0x63: {  	[tilespmem:s12], [sflag:$0x1] =	stream.linear.gather [hbm4b:s11+s2], $0x80, $0x38;
	[tilespmem:$0x280] =	vst v63  }
0x64: {  	_ =	swait.ge [sflag:s3], $0x80  }
0x65: {  	[sflag:s3] =	ssyncset.done $0x0  }
0x66: {  	[sflag:s3] =	ssyncadd.s32 $0xFFFFFF80  }
.LBB2_2:
0x67: {  	v0 =	vld [tilespmem:$0x180]  }
0x68: {  	v1 =	vld [tilespmem:$0x100];
	_ =	sdelay $0x1  }
0x69: {  	v2 =	vld [tilespmem:$0x190]  }
0x6a: {  	v3 =	vld [tilespmem:$0x110];
	_ =	sdelay $0x1  }
0x6b: {  	v0 =	vsub.f32 v0, v1  }
0x6c: {  	v59 =	vld [tilespmem:$0x120]  }
0x6d: {  	v4 =	vld [tilespmem:$0x1A0];
	v0 =	vmul.f32 $1.442695020e+00, v0  }
0x6e: {  	v2 =	vsub.f32 v2, v3  }
0x6f: {  	(erf) = vpow2.f32 v0  }
0x70: {  	v61 =	vld [tilespmem:$0x130];
	v60 =	vmul.f32 $1.442695020e+00, v2  }
0x71: {  	v62 =	vld [tilespmem:$0x1B0]  }
0x72: {  	v1 =	vsub.f32 v4, v59;
	(erf) = vpow2.f32 v60;
	_ =	sdelay $0x1  }
0x73: {  	v63 =	vmul.f32 $1.442695020e+00, v1  }
0x74: {  	v8 =	vld [tilespmem:$0x140]  }
0x75: {  	v9 =	vld [tilespmem:$0x1C0];
	v2 =	vsub.f32 v62, v61;
	(erf) = vpow2.f32 v63;
	_ =	sdelay $0x1  }
0x76: {  	v10 =	vmul.f32 $1.442695020e+00, v2;
	v11 =	vpop (erf)  }
0x77: {  	v12 =	vld [tilespmem:$0x150];
	v2 =	vadd.f32 $1.000000000e+00, v11  }
0x78: {  	v5 =	vld [tilespmem:$0x1D0];
	(erf) = vpow2.f32 v10  }
0x79: {  	v13 =	vsub.f32 v9, v8;
	v14 =	vpop (erf);
	(erf) = vrcp.f32 v2  }
0x7a: {  	v1 =	vadd.f32 $1.000000000e+00, v14  }
0x7b: {  	v15 =	vld [tilespmem:$0x160];
	v0 =	vmul.f32 $1.442695020e+00, v13  }
0x7c: {  	v16 =	vld [tilespmem:$0x1E0];
	(erf) = vrcp.f32 v1  }
0x7d: {  	v18 =	vld [tilespmem:$0x170];
	v17 =	vsub.f32 v5, v12;
	v19 =	vpop (erf);
	(erf) = vpow2.f32 v0  }
0x7e: {  	v20 =	vld [tilespmem:$0x0];
	v5 =	vadd.f32 $1.000000000e+00, v19  }
0x7f: {  	v6 =	vld [tilespmem:$0x1F0];
	v1 =	vmul.f32 $1.442695020e+00, v17  }
0x80: {  	v7 =	vld [tilespmem:$0x80];
	(erf) = vrcp.f32 v5  }
0x81: {  	v2 =	vsub.f32 v16, v15;
	v21 =	vpop (erf);
	(erf) = vpow2.f32 v1  }
0x82: {  	v22 =	vld [tilespmem:$0x10];
	v4 =	vadd.f32 $1.000000000e+00, v21;
	v23 =	vpop (erf)  }
0x83: {  	v2 =	vmul.f32 $1.442695020e+00, v2;
	v8 =	vsub.f32 $1.000000000e+00, v23;
	v0 =	vmul.f32 v23, v20  }
0x84: {  	v24 =	vld [tilespmem:$0x90];
	v3 =	vsub.f32 v6, v18;
	(erf) = vrcp.f32 v4  }
0x85: {  	v26 =	vpop (erf);
	(erf) = vpow2.f32 v2;
	v0 =	vadd.f32 $0.0e+00, v0;
	v25 =	vmul.f32 v8, v7  }
0x86: {  	v28 =	vld [tilespmem:$0x20];
	v3 =	vmul.f32 $1.442695020e+00, v3;
	v27 =	vsub.f32 $1.000000000e+00, v26;
	v29 =	vpop (erf)  }
0x87: {  	v1 =	vmul.f32 v26, v22;
	v30 =	vadd.f32 $1.000000000e+00, v29;
	v0 =	vadd.f32 v25, v0  }
0x88: {  	v31 =	vld [tilespmem:$0xA0];
	(erf) = vpow2.f32 v3  }
0x89: {  	v33 =	vpop (erf);
	v32 =	vmul.f32 v27, v24;
	(erf) = vrcp.f32 v30;
	v0 =	vadd.f32 v1, v0  }
0x8a: {  	v35 =	vld [tilespmem:$0x30];
	v34 =	vsub.f32 $1.000000000e+00, v33;
	v36 =	vpop (erf)  }
0x8b: {  	v37 =	vmul.f32 v33, v28;
	v38 =	vadd.f32 $1.000000000e+00, v36;
	v0 =	vadd.f32 v32, v0  }
0x8c: {  	v39 =	vld [tilespmem:$0xB0]  }
0x8d: {  	v40 =	vmul.f32 v34, v31;
	v41 =	vpop (erf);
	(erf) = vrcp.f32 v38;
	v0 =	vadd.f32 v37, v0  }
0x8e: {  	v43 =	vld [tilespmem:$0x40];
	v42 =	vsub.f32 $1.000000000e+00, v41;
	v44 =	vpop (erf)  }
0x8f: {  	v45 =	vmul.f32 v41, v35;
	v46 =	vadd.f32 $1.000000000e+00, v44;
	v0 =	vadd.f32 v40, v0  }
0x90: {  	v47 =	vld [tilespmem:$0xC0]  }
0x91: {  	v49 =	vpop (erf);
	v48 =	vmul.f32 v42, v39;
	(erf) = vrcp.f32 v46;
	v0 =	vadd.f32 v45, v0  }
0x92: {  	v50 =	vld [tilespmem:$0x50];
	v2 =	vadd.f32 $1.000000000e+00, v49;
	v51 =	vpop (erf)  }
0x93: {  	v52 =	vsub.f32 $1.000000000e+00, v51;
	v5 =	vmul.f32 v51, v43;
	v0 =	vadd.f32 v48, v0  }
0x94: {  	v53 =	vld [tilespmem:$0xD0]  }
0x95: {  	(erf) = vrcp.f32 v2;
	v1 =	vmul.f32 v52, v47;
	v0 =	vadd.f32 v5, v0  }
0x96: {  	v54 =	vld [tilespmem:$0x60];
	v55 =	vpop (erf)  }
0x97: {  	v56 =	vsub.f32 $1.000000000e+00, v55;
	v3 =	vmul.f32 v55, v50;
	v0 =	vadd.f32 v1, v0  }
0x98: {  	v57 =	vld [tilespmem:$0xE0]  }
0x99: {  	v1 =	vmul.f32 v56, v53;
	v0 =	vadd.f32 v3, v0  }
0x9a: {  	v58 =	vld [tilespmem:$0x70];
	v59 =	vpop (erf)  }
0x9b: {  	v60 =	vsub.f32 $1.000000000e+00, v59;
	v2 =	vmul.f32 v59, v54;
	v0 =	vadd.f32 v1, v0  }
0x9c: {  	v61 =	vld [tilespmem:$0xF0]  }
0x9d: {  	v1 =	vmul.f32 v60, v57;
	v0 =	vadd.f32 v2, v0  }
0x9e: {  	v62 =	vpop (erf)  }
0x9f: {  	v63 =	vsub.f32 $1.000000000e+00, v62;
	v2 =	vmul.f32 v62, v58;
	v0 =	vadd.f32 v1, v0;
	_ =	sdelay $0x1  }
0xa0: {  	v1 =	vmul.f32 v63, v61;
	v0 =	vadd.f32 v2, v0;
	_ =	sdelay $0x1  }
0xa1: {  	v0 =	vadd.f32 v1, v0;
	_ =	sdelay $0x1  }
0xa2: {  	[tilespmem:$0x200] =	vst v0  }
0xa3: {  	[hbm4b:s4+s2] =	stream.linear.scatter [tilespmem:s5], [sflag:$0x1], $0x80, $0x38;
	[tilespmem:$0x280] =	vst v63  }
0xa4: {  	_ =	swait.ge [sflag:s3], $0x80  }
0xa5: {  	[sflag:s3] =	ssyncset.done $0x0  }
0xa6: {  	[sflag:s3] =	ssyncadd.s32 $0xFFFFFF80  }
0xa7: {  	_ =	sfence.sel $0x180000  }
0xa8: {  	[bflag:$0x0] =	sbarrier.arrive $0xFFFF  }
0xa9: {  	p0 =	sne.s32 s0, $0x0;
	_ =	strace $0x90000047  }
0xaa: {  	s0 =	sadd.s32 @!p0 $0x100000, s1;
	[bflag:$0x2] =	sbarrier.arrive $0xFFFF  }
0xab: {  	[sflag:s0] =	ssyncadd.tile.s32 @!p0 $0x1;
	_ =	shalt  }
.Lfunc_end2:
_tile_overlayer_lowered:
.L_overlay_start_2:
0xac: {  	(tag) =	ssettag $0x2  }
0xad: {  	s0 =	rddreg [dreg:$0x0];
	s2 =	stileid.u32  }
0xae: {  	s1 =	rddreg [dreg:$0x1];
	p0 =	sne.s32 s2, $0x0  }
0xaf: {  	s3 =	rddreg [dreg:$0x2];
	[bflag:$0x3] =	sbarrier.arrive $0xFFFF;
	s2 =	simm.s32 @!p0 $0x1C01  }
0xb0: {  	[timem:s3], [sflag:s2] =	dma.local @!p0 [hbm:s0], s1  }
0xb1: {  	s0 =	simm.s32 @!p0 $0x1  }
0xb2: {  	_ =	swait.ge @!p0 [sflag:s0], s1  }
0xb3: {  	s1 =	ssub.s32 @!p0 $0x0, s1;
	[sflag:s0] =	ssyncset.done @!p0 $0x0  }
0xb4: {  	[sflag:s0] =	ssyncadd.s32 @!p0 s1  }
0xb5: {  	[bflag:$0x3] =	sbarrier.arrive $0xFFFF  }
0xb6: {  	_ =	shalt  }

</sc_bundles>
